<compile_context>
chip_gen: v7x
topology: tpu7x:2x2x1
jax: 0.10.2.dev20260603
libtpu: 0.0.44.dev20260713+nightly
codegen_flags: <defaults>
</compile_context>

<pallas_src>
import functools

import jax
import jax.numpy as jnp
from jax import lax
from jax.experimental import pallas as pl
from jax.experimental.pallas import tpu as pltpu
from jax.experimental.pallas import tpu_sc as plsc

V, N, D, K = 8, 16384, 32, 512
COMMITMENT_COST = 0.25
BN = 4096
NB = N // BN

NC, NS = 2, 16
NW = NC * NS
B = V * N
BPW = B // NW
CH = 1024
NCH = BPW // CH


def _dist_argmin_body(x_ref, w_ref, kcol_ref, idx_ref, loss_ref, wt_ref):
    v = pl.program_id(0)
    nb = pl.program_id(1)
    x = x_ref[0]
    w = w_ref[0]
    w2 = jnp.sum(w * w, axis=0, keepdims=True)
    x2 = jnp.sum(x * x, axis=1, keepdims=True)
    xw = jnp.dot(x, w, preferred_element_type=jnp.float32)
    scores = x2 - 2.0 * xw + w2
    dist = jnp.min(scores, axis=1)
    onehot = (scores == dist[:, None]).astype(jnp.float32)
    idxf = jnp.dot(onehot, kcol_ref[...],
                   preferred_element_type=jnp.float32)
    idx = None
    for t in range(K // 128):
        bits = jax.lax.bitcast_convert_type(idxf[:, t], jnp.int32)
        kt = (191 - ((bits >> 23) & 0xFF)) + 128 * t
        kt = jnp.where(bits == 0, jnp.int32(1 << 20), kt)
        idx = kt if idx is None else jnp.minimum(idx, kt)
    idx = jnp.minimum(idx, K - 1)
    idx_ref[0, 0, :] = idx + v * K

    @pl.when(nb == 0)
    def _wt():
        wt_ref[0] = w.T

    partial = jnp.sum(dist.reshape(-1, 128), axis=0)
    loss_ref[0, 0, :] = partial


def _indices_and_loss(inputs, embeddings, kcol):
    return pl.pallas_call(
        _dist_argmin_body,
        grid=(V, NB),
        in_specs=[
            pl.BlockSpec((1, BN, D), lambda v, nb: (v, nb, 0)),
            pl.BlockSpec((1, D, K), lambda v, nb: (v, 0, 0)),
            pl.BlockSpec((K, 128), lambda v, nb: (0, 0)),
        ],
        out_specs=[
            pl.BlockSpec((1, 1, BN), lambda v, nb: (v * NB + nb, 0, 0)),
            pl.BlockSpec((1, 1, 128), lambda v, nb: (v * NB + nb, 0, 0)),
            pl.BlockSpec((1, K, D), lambda v, nb: (v, 0, 0)),
        ],
        out_shape=[
            jax.ShapeDtypeStruct((V * NB, 1, BN), jnp.int32),
            jax.ShapeDtypeStruct((V * NB, 1, 128), jnp.float32),
            jax.ShapeDtypeStruct((V, K, D), jnp.float32),
        ],
    )(inputs, embeddings, kcol)


@functools.cache
def _build_sc_gather():
    @functools.partial(
        pl.kernel,
        out_type=jax.ShapeDtypeStruct((B, D), jnp.float32),
        mesh=plsc.VectorSubcoreMesh(core_axis_name="c", subcore_axis_name="s"),
        scratch_types=[
            pltpu.VMEM((CH,), jnp.int32),
            pltpu.VMEM((CH, D), jnp.float32),
            pltpu.SemaphoreType.DMA,
        ],
        compiler_params=pltpu.CompilerParams(use_tc_tiling_on_sc=False),
    )
    def _sc_gather(table_hbm, idx_hbm, out_hbm, idx_v, rows_v, sem):
        wid = lax.axis_index("s") * NC + lax.axis_index("c")
        base = wid * BPW
        for c in range(NCH):
            lo = base + c * CH
            pltpu.sync_copy(idx_hbm.at[pl.ds(lo, CH)], idx_v)
            pltpu.async_copy(table_hbm.at[idx_v], rows_v, sem).wait()
            pltpu.sync_copy(rows_v, out_hbm.at[pl.ds(lo, CH), :])

    return _sc_gather


def kernel(inputs, embeddings):
    karange = jnp.arange(K, dtype=jnp.int32)
    pw = jax.lax.bitcast_convert_type(
        (191 - (karange % 128)) << 23, jnp.float32)
    cols = [jnp.where(karange // 128 == t, pw, 0.0) for t in range(K // 128)]
    kcol = jnp.pad(jnp.stack(cols, axis=1),
                   ((0, 0), (0, 128 - K // 128)))
    idx3, loss_buf, wt = _indices_and_loss(inputs, embeddings, kcol)
    idx_flat = idx3.reshape(B)
    table = wt.reshape(V * K, D)
    quantized = _build_sc_gather()(table, idx_flat)
    output = quantized.reshape(V, N, D)
    loss = (1.0 + COMMITMENT_COST) * jnp.sum(loss_buf) / (V * N * D)
    return output, loss

# --- scband reference (transcript-rebuilt; emitter-appended) ---
"""Pipeline reference for scband-vector-quantizer-17592186045165 (READ-ONLY COPY).

The authoritative reference and input builder live on the scoring server;
editing this copy changes nothing except your own understanding.
"""

import jax, jax.numpy as jnp
import numpy as np

NUM_VAR = 8
N_TOK = 16384
EMBED_DIM = 32
NUM_EMB = 512
COMMITMENT_COST = 0.25


def setup_inputs(seed: int = 0) -> dict:
    key = jax.random.key(seed)
    k1, k2 = jax.random.split(key)
    inputs = jax.random.normal(k1, (NUM_VAR, N_TOK, EMBED_DIM), dtype=jnp.float32)
    # VarianceScaling(distribution='uniform'), fan_in ~ embedding_dim
    limit = float(np.sqrt(3.0 / EMBED_DIM))
    embeddings = jax.random.uniform(
        k2, (NUM_VAR, EMBED_DIM, NUM_EMB), dtype=jnp.float32,
        minval=-limit, maxval=limit)
    return {"inputs": inputs, "embeddings": embeddings}


def reference(inputs, embeddings):
    w = embeddings  # [V, D, K]
    # distances: [V, N, K]
    distances = (
        jnp.sum(inputs ** 2, axis=2, keepdims=True)
        - 2.0 * jnp.einsum('vnd,vdk->vnk', inputs, w)
        + jnp.sum(w ** 2, axis=1, keepdims=True)
    )
    encoding_indices = jnp.argmin(distances, axis=2)  # [V, N]
    wt = jnp.transpose(w, (0, 2, 1))  # [V, K, D]
    quantized = jnp.take_along_axis(wt, encoding_indices[:, :, None], axis=1)  # [V, N, D]
    e_latent_loss = jnp.mean((jax.lax.stop_gradient(quantized) - inputs) ** 2)
    q_latent_loss = jnp.mean((quantized - jax.lax.stop_gradient(inputs)) ** 2)
    loss = q_latent_loss + COMMITMENT_COST * e_latent_loss
    output = inputs + jax.lax.stop_gradient(quantized - inputs)
    return output, loss

if __name__ == "__main__":
    import jax
    _d = setup_inputs()
    print(jax.jit(kernel)(*tuple(_d.values())))

</pallas_src>

<mosaic_0001>
#map = affine_map<(d0, d1) -> (0, 0)>
#map1 = affine_map<(d0, d1) -> (0)>
module attributes {stable_mosaic.version = 14 : i64} {
  func.func @_sc_gather(%arg0: i32, %arg1: i32, %arg2: memref<4096x32xf32, #tpu.memory_space<hbm>>, %arg3: memref<131072xi32, #tpu.memory_space<hbm>>, %arg4: memref<131072x32xf32, #tpu.memory_space<hbm>>, %arg5: memref<1024xi32, #tpu.memory_space<vmem>>, %arg6: memref<1024x32xf32, #tpu.memory_space<vmem>>, %arg7: memref<!tpu.dma_semaphore, #tpu.memory_space<semaphore_mem>>) attributes {dimension_semantics = [#tpu.dimension_semantics<core_parallel>, #tpu.dimension_semantics<subcore_parallel>], iteration_bounds = array<i64: 2, 16>, scalar_prefetch = 0 : i64, scratch_operands = 3 : i64, tpu.core_type = #tpu.core_type<sc_vector_subcore>, window_params = [{transform_indices = #map}, {transform_indices = #map1}, {transform_indices = #map}]} {
    %mul3A = arith.constant 2 : i32
    %mul3A_0 = arith.muli %arg1, %mul3A : i32
    %add3A = arith.addi %mul3A_0, %arg0 : i32
    %mul3A_1 = arith.constant 4096 : i32
    %mul3A_2 = arith.muli %add3A, %mul3A_1 : i32
    %add3A_3 = arith.constant 0 : i32
    %add3A_4 = arith.addi %mul3A_2, %add3A_3 : i32
    "tpu.region"() ({
      %run_scoped3A = tpu.sem_alloc : memref<!tpu.dma_semaphore, #tpu.memory_space<semaphore_mem>>
      %dma_start3A_33 = tpu.memref_slice %arg3[%add3A_4] : memref<131072xi32, #tpu.memory_space<hbm>> -> memref<1024xi32, #tpu.memory_space<hbm>>
      %dma_start3A_34 = tpu.memref_slice %arg3[%add3A_4] : memref<131072xi32, #tpu.memory_space<hbm>> -> memref<1024xi32, #tpu.memory_space<hbm>>
      tpu.enqueue_dma source(%dma_start3A_34 : memref<1024xi32, #tpu.memory_space<hbm>>) target(%arg5 : memref<1024xi32, #tpu.memory_space<vmem>>) target_semaphore(%run_scoped3A : memref<!tpu.dma_semaphore, #tpu.memory_space<semaphore_mem>>)
      %dma_wait3A_35 = tpu.memref_slice %arg3[%add3A_4] : memref<131072xi32, #tpu.memory_space<hbm>> -> memref<1024xi32, #tpu.memory_space<hbm>>
      %dma_wait3A_36 = tpu.memref_slice %arg3[%add3A_4] : memref<131072xi32, #tpu.memory_space<hbm>> -> memref<1024xi32, #tpu.memory_space<hbm>>
      tpu.wait_dma2 semaphore(%run_scoped3A : memref<!tpu.dma_semaphore, #tpu.memory_space<semaphore_mem>>) src(%dma_wait3A_36 : memref<1024xi32, #tpu.memory_space<hbm>>) dst(%arg5 : memref<1024xi32, #tpu.memory_space<vmem>>)
      tpu.yield
    }) : () -> ()
    %dma_start3A = arith.constant 0 : i32
    %dma_start3A_5 = arith.constant 0 : i32
    %dma_start3A_6 = tpu.memref_slice %arg2[%dma_start3A, %dma_start3A_5] : memref<4096x32xf32, #tpu.memory_space<hbm>> -> memref<4096x32xf32, #tpu.memory_space<hbm>>
    tpu.enqueue_indirect_dma source(%dma_start3A_6 : memref<4096x32xf32, #tpu.memory_space<hbm>>) target(%arg6 : memref<1024x32xf32, #tpu.memory_space<vmem>>) offsets(%arg5 : memref<1024xi32, #tpu.memory_space<vmem>>) semaphore(%arg7 : memref<!tpu.dma_semaphore, #tpu.memory_space<semaphore_mem>>)
    %dma_wait3A = arith.constant 0 : i32
    %dma_wait3A_7 = arith.constant 0 : i32
    %dma_wait3A_8 = tpu.memref_slice %arg2[%dma_wait3A, %dma_wait3A_7] : memref<4096x32xf32, #tpu.memory_space<hbm>> -> memref<4096x32xf32, #tpu.memory_space<hbm>>
    tpu.wait_indirect_dma semaphore(%arg7 : memref<!tpu.dma_semaphore, #tpu.memory_space<semaphore_mem>>) src(%dma_wait3A_8 : memref<4096x32xf32, #tpu.memory_space<hbm>>) dst(%arg6 : memref<1024x32xf32, #tpu.memory_space<vmem>>)
    "tpu.region"() ({
      %run_scoped3A = tpu.sem_alloc : memref<!tpu.dma_semaphore, #tpu.memory_space<semaphore_mem>>
      %dma_start3A_33 = arith.constant 0 : i32
      %dma_start3A_34 = tpu.memref_slice %arg4[%add3A_4, %dma_start3A_33] : memref<131072x32xf32, #tpu.memory_space<hbm>> -> memref<1024x32xf32, #tpu.memory_space<hbm>>
      %dma_start3A_35 = arith.constant 0 : i32
      %dma_start3A_36 = tpu.memref_slice %arg4[%add3A_4, %dma_start3A_35] : memref<131072x32xf32, #tpu.memory_space<hbm>> -> memref<1024x32xf32, #tpu.memory_space<hbm>>
      tpu.enqueue_dma source(%arg6 : memref<1024x32xf32, #tpu.memory_space<vmem>>) target(%dma_start3A_36 : memref<1024x32xf32, #tpu.memory_space<hbm>>) target_semaphore(%run_scoped3A : memref<!tpu.dma_semaphore, #tpu.memory_space<semaphore_mem>>)
      %dma_wait3A_37 = arith.constant 0 : i32
      %dma_wait3A_38 = tpu.memref_slice %arg4[%add3A_4, %dma_wait3A_37] : memref<131072x32xf32, #tpu.memory_space<hbm>> -> memref<1024x32xf32, #tpu.memory_space<hbm>>
      %dma_wait3A_39 = arith.constant 0 : i32
      %dma_wait3A_40 = tpu.memref_slice %arg4[%add3A_4, %dma_wait3A_39] : memref<131072x32xf32, #tpu.memory_space<hbm>> -> memref<1024x32xf32, #tpu.memory_space<hbm>>
      tpu.wait_dma2 semaphore(%run_scoped3A : memref<!tpu.dma_semaphore, #tpu.memory_space<semaphore_mem>>) src(%arg6 : memref<1024x32xf32, #tpu.memory_space<vmem>>) dst(%dma_wait3A_40 : memref<1024x32xf32, #tpu.memory_space<hbm>>)
      tpu.yield
    }) : () -> ()
    %add3A_9 = arith.constant 1024 : i32
    %add3A_10 = arith.addi %mul3A_2, %add3A_9 : i32
    "tpu.region"() ({
      %run_scoped3A = tpu.sem_alloc : memref<!tpu.dma_semaphore, #tpu.memory_space<semaphore_mem>>
      %dma_start3A_33 = tpu.memref_slice %arg3[%add3A_10] : memref<131072xi32, #tpu.memory_space<hbm>> -> memref<1024xi32, #tpu.memory_space<hbm>>
      %dma_start3A_34 = tpu.memref_slice %arg3[%add3A_10] : memref<131072xi32, #tpu.memory_space<hbm>> -> memref<1024xi32, #tpu.memory_space<hbm>>
      tpu.enqueue_dma source(%dma_start3A_34 : memref<1024xi32, #tpu.memory_space<hbm>>) target(%arg5 : memref<1024xi32, #tpu.memory_space<vmem>>) target_semaphore(%run_scoped3A : memref<!tpu.dma_semaphore, #tpu.memory_space<semaphore_mem>>)
      %dma_wait3A_35 = tpu.memref_slice %arg3[%add3A_10] : memref<131072xi32, #tpu.memory_space<hbm>> -> memref<1024xi32, #tpu.memory_space<hbm>>
      %dma_wait3A_36 = tpu.memref_slice %arg3[%add3A_10] : memref<131072xi32, #tpu.memory_space<hbm>> -> memref<1024xi32, #tpu.memory_space<hbm>>
      tpu.wait_dma2 semaphore(%run_scoped3A : memref<!tpu.dma_semaphore, #tpu.memory_space<semaphore_mem>>) src(%dma_wait3A_36 : memref<1024xi32, #tpu.memory_space<hbm>>) dst(%arg5 : memref<1024xi32, #tpu.memory_space<vmem>>)
      tpu.yield
    }) : () -> ()
    %dma_start3A_11 = arith.constant 0 : i32
    %dma_start3A_12 = arith.constant 0 : i32
    %dma_start3A_13 = tpu.memref_slice %arg2[%dma_start3A_11, %dma_start3A_12] : memref<4096x32xf32, #tpu.memory_space<hbm>> -> memref<4096x32xf32, #tpu.memory_space<hbm>>
    tpu.enqueue_indirect_dma source(%dma_start3A_13 : memref<4096x32xf32, #tpu.memory_space<hbm>>) target(%arg6 : memref<1024x32xf32, #tpu.memory_space<vmem>>) offsets(%arg5 : memref<1024xi32, #tpu.memory_space<vmem>>) semaphore(%arg7 : memref<!tpu.dma_semaphore, #tpu.memory_space<semaphore_mem>>)
    %dma_wait3A_14 = arith.constant 0 : i32
    %dma_wait3A_15 = arith.constant 0 : i32
    %dma_wait3A_16 = tpu.memref_slice %arg2[%dma_wait3A_14, %dma_wait3A_15] : memref<4096x32xf32, #tpu.memory_space<hbm>> -> memref<4096x32xf32, #tpu.memory_space<hbm>>
    tpu.wait_indirect_dma semaphore(%arg7 : memref<!tpu.dma_semaphore, #tpu.memory_space<semaphore_mem>>) src(%dma_wait3A_16 : memref<4096x32xf32, #tpu.memory_space<hbm>>) dst(%arg6 : memref<1024x32xf32, #tpu.memory_space<vmem>>)
    "tpu.region"() ({
      %run_scoped3A = tpu.sem_alloc : memref<!tpu.dma_semaphore, #tpu.memory_space<semaphore_mem>>
      %dma_start3A_33 = arith.constant 0 : i32
      %dma_start3A_34 = tpu.memref_slice %arg4[%add3A_10, %dma_start3A_33] : memref<131072x32xf32, #tpu.memory_space<hbm>> -> memref<1024x32xf32, #tpu.memory_space<hbm>>
      %dma_start3A_35 = arith.constant 0 : i32
      %dma_start3A_36 = tpu.memref_slice %arg4[%add3A_10, %dma_start3A_35] : memref<131072x32xf32, #tpu.memory_space<hbm>> -> memref<1024x32xf32, #tpu.memory_space<hbm>>
      tpu.enqueue_dma source(%arg6 : memref<1024x32xf32, #tpu.memory_space<vmem>>) target(%dma_start3A_36 : memref<1024x32xf32, #tpu.memory_space<hbm>>) target_semaphore(%run_scoped3A : memref<!tpu.dma_semaphore, #tpu.memory_space<semaphore_mem>>)
      %dma_wait3A_37 = arith.constant 0 : i32
      %dma_wait3A_38 = tpu.memref_slice %arg4[%add3A_10, %dma_wait3A_37] : memref<131072x32xf32, #tpu.memory_space<hbm>> -> memref<1024x32xf32, #tpu.memory_space<hbm>>
      %dma_wait3A_39 = arith.constant 0 : i32
      %dma_wait3A_40 = tpu.memref_slice %arg4[%add3A_10, %dma_wait3A_39] : memref<131072x32xf32, #tpu.memory_space<hbm>> -> memref<1024x32xf32, #tpu.memory_space<hbm>>
      tpu.wait_dma2 semaphore(%run_scoped3A : memref<!tpu.dma_semaphore, #tpu.memory_space<semaphore_mem>>) src(%arg6 : memref<1024x32xf32, #tpu.memory_space<vmem>>) dst(%dma_wait3A_40 : memref<1024x32xf32, #tpu.memory_space<hbm>>)
      tpu.yield
    }) : () -> ()
    %add3A_17 = arith.constant 2048 : i32
    %add3A_18 = arith.addi %mul3A_2, %add3A_17 : i32
    "tpu.region"() ({
      %run_scoped3A = tpu.sem_alloc : memref<!tpu.dma_semaphore, #tpu.memory_space<semaphore_mem>>
      %dma_start3A_33 = tpu.memref_slice %arg3[%add3A_18] : memref<131072xi32, #tpu.memory_space<hbm>> -> memref<1024xi32, #tpu.memory_space<hbm>>
      %dma_start3A_34 = tpu.memref_slice %arg3[%add3A_18] : memref<131072xi32, #tpu.memory_space<hbm>> -> memref<1024xi32, #tpu.memory_space<hbm>>
      tpu.enqueue_dma source(%dma_start3A_34 : memref<1024xi32, #tpu.memory_space<hbm>>) target(%arg5 : memref<1024xi32, #tpu.memory_space<vmem>>) target_semaphore(%run_scoped3A : memref<!tpu.dma_semaphore, #tpu.memory_space<semaphore_mem>>)
      %dma_wait3A_35 = tpu.memref_slice %arg3[%add3A_18] : memref<131072xi32, #tpu.memory_space<hbm>> -> memref<1024xi32, #tpu.memory_space<hbm>>
      %dma_wait3A_36 = tpu.memref_slice %arg3[%add3A_18] : memref<131072xi32, #tpu.memory_space<hbm>> -> memref<1024xi32, #tpu.memory_space<hbm>>
      tpu.wait_dma2 semaphore(%run_scoped3A : memref<!tpu.dma_semaphore, #tpu.memory_space<semaphore_mem>>) src(%dma_wait3A_36 : memref<1024xi32, #tpu.memory_space<hbm>>) dst(%arg5 : memref<1024xi32, #tpu.memory_space<vmem>>)
      tpu.yield
    }) : () -> ()
    %dma_start3A_19 = arith.constant 0 : i32
    %dma_start3A_20 = arith.constant 0 : i32
    %dma_start3A_21 = tpu.memref_slice %arg2[%dma_start3A_19, %dma_start3A_20] : memref<4096x32xf32, #tpu.memory_space<hbm>> -> memref<4096x32xf32, #tpu.memory_space<hbm>>
    tpu.enqueue_indirect_dma source(%dma_start3A_21 : memref<4096x32xf32, #tpu.memory_space<hbm>>) target(%arg6 : memref<1024x32xf32, #tpu.memory_space<vmem>>) offsets(%arg5 : memref<1024xi32, #tpu.memory_space<vmem>>) semaphore(%arg7 : memref<!tpu.dma_semaphore, #tpu.memory_space<semaphore_mem>>)
    %dma_wait3A_22 = arith.constant 0 : i32
    %dma_wait3A_23 = arith.constant 0 : i32
    %dma_wait3A_24 = tpu.memref_slice %arg2[%dma_wait3A_22, %dma_wait3A_23] : memref<4096x32xf32, #tpu.memory_space<hbm>> -> memref<4096x32xf32, #tpu.memory_space<hbm>>
    tpu.wait_indirect_dma semaphore(%arg7 : memref<!tpu.dma_semaphore, #tpu.memory_space<semaphore_mem>>) src(%dma_wait3A_24 : memref<4096x32xf32, #tpu.memory_space<hbm>>) dst(%arg6 : memref<1024x32xf32, #tpu.memory_space<vmem>>)
    "tpu.region"() ({
      %run_scoped3A = tpu.sem_alloc : memref<!tpu.dma_semaphore, #tpu.memory_space<semaphore_mem>>
      %dma_start3A_33 = arith.constant 0 : i32
      %dma_start3A_34 = tpu.memref_slice %arg4[%add3A_18, %dma_start3A_33] : memref<131072x32xf32, #tpu.memory_space<hbm>> -> memref<1024x32xf32, #tpu.memory_space<hbm>>
      %dma_start3A_35 = arith.constant 0 : i32
      %dma_start3A_36 = tpu.memref_slice %arg4[%add3A_18, %dma_start3A_35] : memref<131072x32xf32, #tpu.memory_space<hbm>> -> memref<1024x32xf32, #tpu.memory_space<hbm>>
      tpu.enqueue_dma source(%arg6 : memref<1024x32xf32, #tpu.memory_space<vmem>>) target(%dma_start3A_36 : memref<1024x32xf32, #tpu.memory_space<hbm>>) target_semaphore(%run_scoped3A : memref<!tpu.dma_semaphore, #tpu.memory_space<semaphore_mem>>)
      %dma_wait3A_37 = arith.constant 0 : i32
      %dma_wait3A_38 = tpu.memref_slice %arg4[%add3A_18, %dma_wait3A_37] : memref<131072x32xf32, #tpu.memory_space<hbm>> -> memref<1024x32xf32, #tpu.memory_space<hbm>>
      %dma_wait3A_39 = arith.constant 0 : i32
      %dma_wait3A_40 = tpu.memref_slice %arg4[%add3A_18, %dma_wait3A_39] : memref<131072x32xf32, #tpu.memory_space<hbm>> -> memref<1024x32xf32, #tpu.memory_space<hbm>>
      tpu.wait_dma2 semaphore(%run_scoped3A : memref<!tpu.dma_semaphore, #tpu.memory_space<semaphore_mem>>) src(%arg6 : memref<1024x32xf32, #tpu.memory_space<vmem>>) dst(%dma_wait3A_40 : memref<1024x32xf32, #tpu.memory_space<hbm>>)
      tpu.yield
    }) : () -> ()
    %add3A_25 = arith.constant 3072 : i32
    %add3A_26 = arith.addi %mul3A_2, %add3A_25 : i32
    "tpu.region"() ({
      %run_scoped3A = tpu.sem_alloc : memref<!tpu.dma_semaphore, #tpu.memory_space<semaphore_mem>>
      %dma_start3A_33 = tpu.memref_slice %arg3[%add3A_26] : memref<131072xi32, #tpu.memory_space<hbm>> -> memref<1024xi32, #tpu.memory_space<hbm>>
      %dma_start3A_34 = tpu.memref_slice %arg3[%add3A_26] : memref<131072xi32, #tpu.memory_space<hbm>> -> memref<1024xi32, #tpu.memory_space<hbm>>
      tpu.enqueue_dma source(%dma_start3A_34 : memref<1024xi32, #tpu.memory_space<hbm>>) target(%arg5 : memref<1024xi32, #tpu.memory_space<vmem>>) target_semaphore(%run_scoped3A : memref<!tpu.dma_semaphore, #tpu.memory_space<semaphore_mem>>)
      %dma_wait3A_35 = tpu.memref_slice %arg3[%add3A_26] : memref<131072xi32, #tpu.memory_space<hbm>> -> memref<1024xi32, #tpu.memory_space<hbm>>
      %dma_wait3A_36 = tpu.memref_slice %arg3[%add3A_26] : memref<131072xi32, #tpu.memory_space<hbm>> -> memref<1024xi32, #tpu.memory_space<hbm>>
      tpu.wait_dma2 semaphore(%run_scoped3A : memref<!tpu.dma_semaphore, #tpu.memory_space<semaphore_mem>>) src(%dma_wait3A_36 : memref<1024xi32, #tpu.memory_space<hbm>>) dst(%arg5 : memref<1024xi32, #tpu.memory_space<vmem>>)
      tpu.yield
    }) : () -> ()
    %dma_start3A_27 = arith.constant 0 : i32
    %dma_start3A_28 = arith.constant 0 : i32
    %dma_start3A_29 = tpu.memref_slice %arg2[%dma_start3A_27, %dma_start3A_28] : memref<4096x32xf32, #tpu.memory_space<hbm>> -> memref<4096x32xf32, #tpu.memory_space<hbm>>
    tpu.enqueue_indirect_dma source(%dma_start3A_29 : memref<4096x32xf32, #tpu.memory_space<hbm>>) target(%arg6 : memref<1024x32xf32, #tpu.memory_space<vmem>>) offsets(%arg5 : memref<1024xi32, #tpu.memory_space<vmem>>) semaphore(%arg7 : memref<!tpu.dma_semaphore, #tpu.memory_space<semaphore_mem>>)
    %dma_wait3A_30 = arith.constant 0 : i32
    %dma_wait3A_31 = arith.constant 0 : i32
    %dma_wait3A_32 = tpu.memref_slice %arg2[%dma_wait3A_30, %dma_wait3A_31] : memref<4096x32xf32, #tpu.memory_space<hbm>> -> memref<4096x32xf32, #tpu.memory_space<hbm>>
    tpu.wait_indirect_dma semaphore(%arg7 : memref<!tpu.dma_semaphore, #tpu.memory_space<semaphore_mem>>) src(%dma_wait3A_32 : memref<4096x32xf32, #tpu.memory_space<hbm>>) dst(%arg6 : memref<1024x32xf32, #tpu.memory_space<vmem>>)
    "tpu.region"() ({
      %run_scoped3A = tpu.sem_alloc : memref<!tpu.dma_semaphore, #tpu.memory_space<semaphore_mem>>
      %dma_start3A_33 = arith.constant 0 : i32
      %dma_start3A_34 = tpu.memref_slice %arg4[%add3A_26, %dma_start3A_33] : memref<131072x32xf32, #tpu.memory_space<hbm>> -> memref<1024x32xf32, #tpu.memory_space<hbm>>
      %dma_start3A_35 = arith.constant 0 : i32
      %dma_start3A_36 = tpu.memref_slice %arg4[%add3A_26, %dma_start3A_35] : memref<131072x32xf32, #tpu.memory_space<hbm>> -> memref<1024x32xf32, #tpu.memory_space<hbm>>
      tpu.enqueue_dma source(%arg6 : memref<1024x32xf32, #tpu.memory_space<vmem>>) target(%dma_start3A_36 : memref<1024x32xf32, #tpu.memory_space<hbm>>) target_semaphore(%run_scoped3A : memref<!tpu.dma_semaphore, #tpu.memory_space<semaphore_mem>>)
      %dma_wait3A_37 = arith.constant 0 : i32
      %dma_wait3A_38 = tpu.memref_slice %arg4[%add3A_26, %dma_wait3A_37] : memref<131072x32xf32, #tpu.memory_space<hbm>> -> memref<1024x32xf32, #tpu.memory_space<hbm>>
      %dma_wait3A_39 = arith.constant 0 : i32
      %dma_wait3A_40 = tpu.memref_slice %arg4[%add3A_26, %dma_wait3A_39] : memref<131072x32xf32, #tpu.memory_space<hbm>> -> memref<1024x32xf32, #tpu.memory_space<hbm>>
      tpu.wait_dma2 semaphore(%run_scoped3A : memref<!tpu.dma_semaphore, #tpu.memory_space<semaphore_mem>>) src(%arg6 : memref<1024x32xf32, #tpu.memory_space<vmem>>) dst(%dma_wait3A_40 : memref<1024x32xf32, #tpu.memory_space<hbm>>)
      tpu.yield
    }) : () -> ()
    return
  }
}

module attributes {stable_mosaic.version = 14 : i64} {
  func.func @_dist_argmin_body(%arg0: i32, %arg1: i32, %arg2: memref<1x4096x32xf32, #tpu.memory_space<vmem>>, %arg3: memref<1x32x512xf32, #tpu.memory_space<vmem>>, %arg4: memref<512x128xf32, #tpu.memory_space<vmem>>, %arg5: memref<1x1x4096xi32, #tpu.memory_space<vmem>>, %arg6: memref<1x1x128xf32, #tpu.memory_space<vmem>>, %arg7: memref<1x512x32xf32, #tpu.memory_space<vmem>>) attributes {dimension_semantics = [#tpu.dimension_semantics<arbitrary>, #tpu.dimension_semantics<arbitrary>], iteration_bounds = array<i64: 8, 4>, scalar_prefetch = 0 : i64, scratch_operands = 0 : i64, tpu.core_type = #tpu.core_type<tc>, window_params = [{transform_indices = @transform_0, window_bounds = array<i64: 1, 4096, 32>}, {transform_indices = @transform_1, window_bounds = array<i64: 1, 32, 512>}, {pipeline_mode = #tpu.pipeline_mode<synchronous>, transform_indices = @transform_2, window_bounds = array<i64: 512, 128>}, {transform_indices = @transform_3, window_bounds = array<i64: 1, 1, 4096>}, {transform_indices = @transform_4, window_bounds = array<i64: 1, 1, 128>}, {transform_indices = @transform_5, window_bounds = array<i64: 1, 512, 32>}]} {
    %get3A = arith.constant 0 : index
    %get3A_0 = arith.constant 0 : index
    %get3A_1 = arith.constant 0 : index
    %get3A_2 = vector.load %arg2[%get3A, %get3A_0, %get3A_1] : memref<1x4096x32xf32, #tpu.memory_space<vmem>>, vector<1x4096x32xf32>
    %get3A_3 = vector.shape_cast %get3A_2 : vector<1x4096x32xf32> to vector<4096x32xf32>
    %get3A_4 = arith.constant 0 : index
    %get3A_5 = arith.constant 0 : index
    %get3A_6 = arith.constant 0 : index
    %get3A_7 = vector.load %arg3[%get3A_4, %get3A_5, %get3A_6] : memref<1x32x512xf32, #tpu.memory_space<vmem>>, vector<1x32x512xf32>
    %get3A_8 = vector.shape_cast %get3A_7 : vector<1x32x512xf32> to vector<32x512xf32>
    %mul3A = arith.mulf %get3A_8, %get3A_8 : vector<32x512xf32>
    %reduce_sum3A = arith.constant dense<0.000000e+00> : vector<512xf32>
    %reduce_sum3A_9 = vector.multi_reduction <add>, %mul3A, %reduce_sum3A [0] : vector<32x512xf32> to vector<512xf32>
    %broadcast_in_dim3A = vector.shape_cast %reduce_sum3A_9 : vector<512xf32> to vector<1x512xf32>
    %mul3A_10 = arith.mulf %get3A_3, %get3A_3 : vector<4096x32xf32>
    %reduce_sum3A_11 = arith.constant dense<0.000000e+00> : vector<4096xf32>
    %reduce_sum3A_12 = vector.multi_reduction <add>, %mul3A_10, %reduce_sum3A_11 [1] : vector<4096x32xf32> to vector<4096xf32>
    %broadcast_in_dim3A_13 = vector.shape_cast %reduce_sum3A_12 : vector<4096xf32> to vector<4096x1xf32>
    %dot_general3A = arith.constant dense<0.000000e+00> : vector<4096x512xf32>
    %dot_general3A_14 = tpu.matmul %get3A_3, %get3A_8, %dot_general3A {dimension_numbers = #tpu.dot_dimension_numbers<[1], [0], [0], [1], [0, 0, 1, 1], [], []>, transpose_lhs_hint = false} : vector<4096x32xf32>, vector<32x512xf32>, vector<4096x512xf32> -> vector<4096x512xf32>
    %mul3A_15 = arith.constant 2.000000e+00 : f32
    %mul3A_16 = vector.broadcast %mul3A_15 : f32 to vector<4096x512xf32>
    %mul3A_17 = arith.mulf %mul3A_16, %dot_general3A_14 : vector<4096x512xf32>
    %sub3A = vector.broadcast %broadcast_in_dim3A_13 : vector<4096x1xf32> to vector<4096x512xf32>
    %sub3A_18 = arith.subf %sub3A, %mul3A_17 : vector<4096x512xf32>
    %add3A = vector.broadcast %broadcast_in_dim3A : vector<1x512xf32> to vector<4096x512xf32>
    %add3A_19 = arith.addf %sub3A_18, %add3A : vector<4096x512xf32>
    %reduce_min3A = arith.constant dense<0x7F800000> : vector<4096xf32>
    %reduce_min3A_20 = vector.multi_reduction <minimumf>, %add3A_19, %reduce_min3A [1] : vector<4096x512xf32> to vector<4096xf32>
    %broadcast_in_dim3A_21 = vector.shape_cast %reduce_min3A_20 : vector<4096xf32> to vector<4096x1xf32>
    %eq3A = vector.broadcast %broadcast_in_dim3A_21 : vector<4096x1xf32> to vector<4096x512xf32>
    %eq3A_22 = arith.cmpf oeq, %add3A_19, %eq3A : vector<4096x512xf32>
    %convert_element_type3A = arith.extui %eq3A_22 : vector<4096x512xi1> to vector<4096x512xi32>
    %convert_element_type3A_23 = arith.sitofp %convert_element_type3A : vector<4096x512xi32> to vector<4096x512xf32>
    %get3A_24 = arith.constant 0 : index
    %get3A_25 = arith.constant 0 : index
    %get3A_26 = vector.load %arg4[%get3A_24, %get3A_25] : memref<512x128xf32, #tpu.memory_space<vmem>>, vector<512x128xf32>
    %dot_general3A_27 = arith.constant dense<0.000000e+00> : vector<4096x128xf32>
    %dot_general3A_28 = tpu.matmul %convert_element_type3A_23, %get3A_26, %dot_general3A_27 {dimension_numbers = #tpu.dot_dimension_numbers<[1], [0], [0], [1], [0, 0, 1, 1], [], []>, transpose_lhs_hint = false} : vector<4096x512xf32>, vector<512x128xf32>, vector<4096x128xf32> -> vector<4096x128xf32>
    %slice3A = vector.extract_strided_slice %dot_general3A_28 {offsets = [0, 0], sizes = [4096, 1], strides = [1, 1]} : vector<4096x128xf32> to vector<4096x1xf32>
    %squeeze3A = vector.shape_cast %slice3A : vector<4096x1xf32> to vector<4096xf32>
    %bitcast_convert_type3A = tpu.bitcast %squeeze3A : vector<4096xf32> -> vector<4096xi32>
    %shift_right_arithmetic3A = arith.constant 23 : i32
    %shift_right_arithmetic3A_29 = vector.broadcast %shift_right_arithmetic3A : i32 to vector<4096xi32>
    %shift_right_arithmetic3A_30 = arith.shrsi %bitcast_convert_type3A, %shift_right_arithmetic3A_29 : vector<4096xi32>
    %and3A = arith.constant 255 : i32
    %and3A_31 = vector.broadcast %and3A : i32 to vector<4096xi32>
    %and3A_32 = arith.andi %shift_right_arithmetic3A_30, %and3A_31 : vector<4096xi32>
    %sub3A_33 = arith.constant 191 : i32
    %sub3A_34 = vector.broadcast %sub3A_33 : i32 to vector<4096xi32>
    %sub3A_35 = arith.subi %sub3A_34, %and3A_32 : vector<4096xi32>
    %add3A_36 = arith.constant 0 : i32
    %add3A_37 = vector.broadcast %add3A_36 : i32 to vector<4096xi32>
    %add3A_38 = arith.addi %sub3A_35, %add3A_37 : vector<4096xi32>
    %eq3A_39 = arith.constant 0 : i32
    %eq3A_40 = vector.broadcast %eq3A_39 : i32 to vector<4096xi32>
    %eq3A_41 = arith.cmpi eq, %bitcast_convert_type3A, %eq3A_40 : vector<4096xi32>
    %jit3A = arith.constant 1048576 : i32
    %broadcast_in_dim3A_42 = vector.broadcast %jit3A : i32 to vector<4096xi32>
    %select_n3A = arith.select %eq3A_41, %broadcast_in_dim3A_42, %add3A_38 : vector<4096xi1>, vector<4096xi32>
    %slice3A_43 = vector.extract_strided_slice %dot_general3A_28 {offsets = [0, 1], sizes = [4096, 1], strides = [1, 1]} : vector<4096x128xf32> to vector<4096x1xf32>
    %squeeze3A_44 = vector.shape_cast %slice3A_43 : vector<4096x1xf32> to vector<4096xf32>
    %bitcast_convert_type3A_45 = tpu.bitcast %squeeze3A_44 : vector<4096xf32> -> vector<4096xi32>
    %shift_right_arithmetic3A_46 = arith.constant 23 : i32
    %shift_right_arithmetic3A_47 = vector.broadcast %shift_right_arithmetic3A_46 : i32 to vector<4096xi32>
    %shift_right_arithmetic3A_48 = arith.shrsi %bitcast_convert_type3A_45, %shift_right_arithmetic3A_47 : vector<4096xi32>
    %and3A_49 = arith.constant 255 : i32
    %and3A_50 = vector.broadcast %and3A_49 : i32 to vector<4096xi32>
    %and3A_51 = arith.andi %shift_right_arithmetic3A_48, %and3A_50 : vector<4096xi32>
    %sub3A_52 = arith.constant 191 : i32
    %sub3A_53 = vector.broadcast %sub3A_52 : i32 to vector<4096xi32>
    %sub3A_54 = arith.subi %sub3A_53, %and3A_51 : vector<4096xi32>
    %add3A_55 = arith.constant 128 : i32
    %add3A_56 = vector.broadcast %add3A_55 : i32 to vector<4096xi32>
    %add3A_57 = arith.addi %sub3A_54, %add3A_56 : vector<4096xi32>
    %eq3A_58 = arith.constant 0 : i32
    %eq3A_59 = vector.broadcast %eq3A_58 : i32 to vector<4096xi32>
    %eq3A_60 = arith.cmpi eq, %bitcast_convert_type3A_45, %eq3A_59 : vector<4096xi32>
    %jit3A_61 = arith.constant 1048576 : i32
    %broadcast_in_dim3A_62 = vector.broadcast %jit3A_61 : i32 to vector<4096xi32>
    %select_n3A_63 = arith.select %eq3A_60, %broadcast_in_dim3A_62, %add3A_57 : vector<4096xi1>, vector<4096xi32>
    %min3A = arith.minsi %select_n3A, %select_n3A_63 : vector<4096xi32>
    %slice3A_64 = vector.extract_strided_slice %dot_general3A_28 {offsets = [0, 2], sizes = [4096, 1], strides = [1, 1]} : vector<4096x128xf32> to vector<4096x1xf32>
    %squeeze3A_65 = vector.shape_cast %slice3A_64 : vector<4096x1xf32> to vector<4096xf32>
    %bitcast_convert_type3A_66 = tpu.bitcast %squeeze3A_65 : vector<4096xf32> -> vector<4096xi32>
    %shift_right_arithmetic3A_67 = arith.constant 23 : i32
    %shift_right_arithmetic3A_68 = vector.broadcast %shift_right_arithmetic3A_67 : i32 to vector<4096xi32>
    %shift_right_arithmetic3A_69 = arith.shrsi %bitcast_convert_type3A_66, %shift_right_arithmetic3A_68 : vector<4096xi32>
    %and3A_70 = arith.constant 255 : i32
    %and3A_71 = vector.broadcast %and3A_70 : i32 to vector<4096xi32>
    %and3A_72 = arith.andi %shift_right_arithmetic3A_69, %and3A_71 : vector<4096xi32>
    %sub3A_73 = arith.constant 191 : i32
    %sub3A_74 = vector.broadcast %sub3A_73 : i32 to vector<4096xi32>
    %sub3A_75 = arith.subi %sub3A_74, %and3A_72 : vector<4096xi32>
    %add3A_76 = arith.constant 256 : i32
    %add3A_77 = vector.broadcast %add3A_76 : i32 to vector<4096xi32>
    %add3A_78 = arith.addi %sub3A_75, %add3A_77 : vector<4096xi32>
    %eq3A_79 = arith.constant 0 : i32
    %eq3A_80 = vector.broadcast %eq3A_79 : i32 to vector<4096xi32>
    %eq3A_81 = arith.cmpi eq, %bitcast_convert_type3A_66, %eq3A_80 : vector<4096xi32>
    %jit3A_82 = arith.constant 1048576 : i32
    %broadcast_in_dim3A_83 = vector.broadcast %jit3A_82 : i32 to vector<4096xi32>
    %select_n3A_84 = arith.select %eq3A_81, %broadcast_in_dim3A_83, %add3A_78 : vector<4096xi1>, vector<4096xi32>
    %min3A_85 = arith.minsi %min3A, %select_n3A_84 : vector<4096xi32>
    %slice3A_86 = vector.extract_strided_slice %dot_general3A_28 {offsets = [0, 3], sizes = [4096, 1], strides = [1, 1]} : vector<4096x128xf32> to vector<4096x1xf32>
    %squeeze3A_87 = vector.shape_cast %slice3A_86 : vector<4096x1xf32> to vector<4096xf32>
    %bitcast_convert_type3A_88 = tpu.bitcast %squeeze3A_87 : vector<4096xf32> -> vector<4096xi32>
    %shift_right_arithmetic3A_89 = arith.constant 23 : i32
    %shift_right_arithmetic3A_90 = vector.broadcast %shift_right_arithmetic3A_89 : i32 to vector<4096xi32>
    %shift_right_arithmetic3A_91 = arith.shrsi %bitcast_convert_type3A_88, %shift_right_arithmetic3A_90 : vector<4096xi32>
    %and3A_92 = arith.constant 255 : i32
    %and3A_93 = vector.broadcast %and3A_92 : i32 to vector<4096xi32>
    %and3A_94 = arith.andi %shift_right_arithmetic3A_91, %and3A_93 : vector<4096xi32>
    %sub3A_95 = arith.constant 191 : i32
    %sub3A_96 = vector.broadcast %sub3A_95 : i32 to vector<4096xi32>
    %sub3A_97 = arith.subi %sub3A_96, %and3A_94 : vector<4096xi32>
    %add3A_98 = arith.constant 384 : i32
    %add3A_99 = vector.broadcast %add3A_98 : i32 to vector<4096xi32>
    %add3A_100 = arith.addi %sub3A_97, %add3A_99 : vector<4096xi32>
    %eq3A_101 = arith.constant 0 : i32
    %eq3A_102 = vector.broadcast %eq3A_101 : i32 to vector<4096xi32>
    %eq3A_103 = arith.cmpi eq, %bitcast_convert_type3A_88, %eq3A_102 : vector<4096xi32>
    %jit3A_104 = arith.constant 1048576 : i32
    %broadcast_in_dim3A_105 = vector.broadcast %jit3A_104 : i32 to vector<4096xi32>
    %select_n3A_106 = arith.select %eq3A_103, %broadcast_in_dim3A_105, %add3A_100 : vector<4096xi1>, vector<4096xi32>
    %min3A_107 = arith.minsi %min3A_85, %select_n3A_106 : vector<4096xi32>
    %min3A_108 = arith.constant 511 : i32
    %min3A_109 = vector.broadcast %min3A_108 : i32 to vector<4096xi32>
    %min3A_110 = arith.minsi %min3A_107, %min3A_109 : vector<4096xi32>
    %mul3A_111 = arith.constant 512 : i32
    %mul3A_112 = arith.muli %arg0, %mul3A_111 : i32
    %add3A_113 = vector.broadcast %mul3A_112 : i32 to vector<4096xi32>
    %add3A_114 = arith.addi %min3A_110, %add3A_113 : vector<4096xi32>
    %swap3A = arith.constant 0 : index
    %swap3A_115 = arith.constant 0 : index
    %swap3A_116 = arith.constant 0 : index
    %swap3A_117 = vector.load %arg5[%swap3A, %swap3A_115, %swap3A_116] : memref<1x1x4096xi32, #tpu.memory_space<vmem>>, vector<1x1x4096xi32>
    %swap3A_118 = vector.shape_cast %swap3A_117 : vector<1x1x4096xi32> to vector<4096xi32>
    %swap3A_119 = vector.shape_cast %add3A_114 : vector<4096xi32> to vector<1x1x4096xi32>
    tpu.vector_store %arg5[%swap3A, %swap3A_115, %swap3A_116], %swap3A_119 {strides = array<i32>} : memref<1x1x4096xi32, #tpu.memory_space<vmem>>, vector<1x1x4096xi32>,
    %eq3A_120 = arith.constant 0 : i32
    %eq3A_121 = arith.cmpi eq, %arg1, %eq3A_120 : i32
    %convert_element_type3A_122 = arith.extui %eq3A_121 : i1 to i32
    %cond3A = arith.constant 0 : i32
    %cond3A_123 = arith.cmpi ne, %convert_element_type3A_122, %cond3A : i32
    scf.if %cond3A_123 {
      %transpose3A = tpu.transpose %get3A_8, [1, 0] : vector<32x512xf32> -> vector<512x32xf32>
      %swap3A_132 = arith.constant 0 : index
      %swap3A_133 = arith.constant 0 : index
      %swap3A_134 = arith.constant 0 : index
      %swap3A_135 = vector.load %arg7[%swap3A_132, %swap3A_133, %swap3A_134] : memref<1x512x32xf32, #tpu.memory_space<vmem>>, vector<1x512x32xf32>
      %swap3A_136 = vector.shape_cast %swap3A_135 : vector<1x512x32xf32> to vector<512x32xf32>
      %swap3A_137 = vector.shape_cast %transpose3A : vector<512x32xf32> to vector<1x512x32xf32>
      tpu.vector_store %arg7[%swap3A_132, %swap3A_133, %swap3A_134], %swap3A_137 {strides = array<i32>} : memref<1x512x32xf32, #tpu.memory_space<vmem>>, vector<1x512x32xf32>,
    } else {
    }
    %reshape3A = vector.shape_cast %reduce_min3A_20 : vector<4096xf32> to vector<32x128xf32>
    %reduce_sum3A_124 = arith.constant dense<0.000000e+00> : vector<128xf32>
    %reduce_sum3A_125 = vector.multi_reduction <add>, %reshape3A, %reduce_sum3A_124 [0] : vector<32x128xf32> to vector<128xf32>
    %swap3A_126 = arith.constant 0 : index
    %swap3A_127 = arith.constant 0 : index
    %swap3A_128 = arith.constant 0 : index
    %swap3A_129 = vector.load %arg6[%swap3A_126, %swap3A_127, %swap3A_128] : memref<1x1x128xf32, #tpu.memory_space<vmem>>, vector<1x1x128xf32>
    %swap3A_130 = vector.shape_cast %swap3A_129 : vector<1x1x128xf32> to vector<128xf32>
    %swap3A_131 = vector.shape_cast %reduce_sum3A_125 : vector<128xf32> to vector<1x1x128xf32>
    tpu.vector_store %arg6[%swap3A_126, %swap3A_127, %swap3A_128], %swap3A_131 {strides = array<i32>} : memref<1x1x128xf32, #tpu.memory_space<vmem>>, vector<1x1x128xf32>,
    return
  }
  func.func @transform_0(%arg0: i32, %arg1: i32) -> (i32, i32, i32) {
    %c0_i32 = arith.constant 0 : i32
    %c0_i32_0 = arith.constant 0 : i32
    return %arg0, %arg1, %c0_i32 : i32, i32, i32
  }
  func.func @transform_1(%arg0: i32, %arg1: i32) -> (i32, i32, i32) {
    %c0_i32 = arith.constant 0 : i32
    %c0_i32_0 = arith.constant 0 : i32
    %c0_i32_1 = arith.constant 0 : i32
    return %arg0, %c0_i32, %c0_i32_0 : i32, i32, i32
  }
  func.func @transform_2(%arg0: i32, %arg1: i32) -> (i32, i32) {
    %c0_i32 = arith.constant 0 : i32
    %c0_i32_0 = arith.constant 0 : i32
    %c0_i32_1 = arith.constant 0 : i32
    return %c0_i32, %c0_i32_0 : i32, i32
  }
  func.func @transform_3(%arg0: i32, %arg1: i32) -> (i32, i32, i32) {
    %mul3A = arith.constant 4 : i32
    %mul3A_0 = arith.muli %arg0, %mul3A : i32
    %add3A = arith.addi %mul3A_0, %arg1 : i32
    %c0_i32 = arith.constant 0 : i32
    %c0_i32_1 = arith.constant 0 : i32
    %c0_i32_2 = arith.constant 0 : i32
    return %add3A, %c0_i32, %c0_i32_1 : i32, i32, i32
  }
  func.func @transform_4(%arg0: i32, %arg1: i32) -> (i32, i32, i32) {
    %mul3A = arith.constant 4 : i32
    %mul3A_0 = arith.muli %arg0, %mul3A : i32
    %add3A = arith.addi %mul3A_0, %arg1 : i32
    %c0_i32 = arith.constant 0 : i32
    %c0_i32_1 = arith.constant 0 : i32
    %c0_i32_2 = arith.constant 0 : i32
    return %add3A, %c0_i32, %c0_i32_1 : i32, i32, i32
  }
  func.func @transform_5(%arg0: i32, %arg1: i32) -> (i32, i32, i32) {
    %c0_i32 = arith.constant 0 : i32
    %c0_i32_0 = arith.constant 0 : i32
    %c0_i32_1 = arith.constant 0 : i32
    return %arg0, %c0_i32, %c0_i32_0 : i32, i32, i32
  }
}

</mosaic_0001>

<sc_bundles>
// kernel: kernel.4.cloned.1.call-start
scs
__scs_entry_jumppad:
0x0: {  	(pc) =	sbr.rel $0x88, $3  }
0x1: {  	(tag) =	ssettag $0x0;
	lr =	simm.s32 $0x1  }
0x2: {  	[smem:$0x3F9F] =	sst lr;
	_ =	strace $0xD0000000  }
0x3: {  	_ = 	snop  }
0x4: {  	_ = 	snop  }
0x5: {  	_ = 	snop  }
0x6: {  	_ = 	snop  }
0x7: {  	_ = 	snop  }
__scs_overlays_trampoline_lowered:
0x8: {  	[smem:$0x3FAE] =	sst s0  }
0x9: {  	[smem:$0x3FAF] =	sst s1  }
0xa: {  	[smem:$0x3FB0] =	sst s2  }
0xb: {  	[smem:$0x3FB1] =	sst s3  }
0xc: {  	[smem:$0x3FB2] =	sst s4  }
0xd: {  	[smem:$0x3FB3] =	sst s5  }
0xe: {  	[smem:$0x3FB4] =	sst s6  }
0xf: {  	[smem:$0x3FB5] =	sst s7  }
0x10: {  	[smem:$0x3FB6] =	sst s8  }
0x11: {  	[smem:$0x3FB7] =	sst s9;
	s0 =	simm.s32 @!p0 $0x0  }
0x12: {  	s1 =	sld [smem:$0x3F9D];
	s0 =	simm.s32 @p0 $0x1  }
0x13: {  	[smem:$0x3FB8] =	sst s0;
	s0 =	simm.s32 @!p1 $0x0  }
0x14: {  	s2 =	sld [smem:$0x3F9C];
	s0 =	simm.s32 @p1 $0x1  }
0x15: {  	[smem:$0x3FB9] =	sst s0;
	s0 =	simm.s32 @!p2 $0x0  }
0x16: {  	s3 =	sld [smem:$0x3FDB];
	s0 =	simm.s32 @p2 $0x1  }
0x17: {  	s4 =	simm.s32 $0x1BF5;
	[smem:$0x3FBB] =	sst s0  }
0x18: {  	s0 =	sld [smem:$0x3F9E];
	_ =	swait.ge [sflag:s4], $0x0  }
0x19: {  	s7 =	sld [smem:$0x3F9F]  }
0x1a: {  	s8 =	sadd.s32 $0xFFFFE003, lr  }
0x1b: {  	s9 =	sadd.s32 $0xFFFFFEF7, lr;
	s5 =	simm.s32 $0xFFFFFFFF;
	p2 =	slt.u32 s8, $0xFFFFF086  }
0x1c: {  	p1 =	slt.u32 s9, $0xF7A;
	s5 =	simm.s32 @!p2 $0x0  }
0x1d: {  	s5 =	simm.s32 @p1 $0x1;
	p0 =	seq.s32 s7, s2  }
0x1e: {  	s7 =	smul.u32 @!p0 $0xF7A, s2;
	p2 =	seq.s32 @!p0 s5, $0x0  }
0x1f: {  	s9 =	smul.u32 $0xF7A, s1;
	s8 =	simm.s32 @!p0 $0x1BF5;
	p2 =	por !p2, p0  }
0x20: {  	[sflag:s8] =	ssyncset.s32 @!p0 $0xFFFFF086;
	s6 =	sadd.s32 @!p0 s3, s7;
	s7 =	simm.s32 @!p0 $0x108  }
0x21: {  	s3 =	sadd.s32 s3, s9;
	s6 =	sadd.s32 @!p0 $0x88, s6;
	s7 =	simm.s32 @p2 $0x1082  }
0x22: {  	[simem:s7], [sflag:s8] =	dma.local @!p0 [hbm:s6], $0xF7A  }
0x23: {  	s9 =	sor.u32 $0xD0000000, s2;
	s6 =	simm.s32 $0x108;
	_ =	swait.ge @!p0 [sflag:s8], $0x0  }
0x24: {  	s3 =	sadd.s32 $0x88, s3;
	s6 =	simm.s32 @!p1 $0x1082;
	[sflag:s4] =	ssyncset.s32 $0xFFFFF086  }
0x25: {  	[simem:s6], [sflag:s4] =	dma.local [hbm:s3], $0xF7A  }
0x26: {  	[smem:$0x3F9F] =	sst s1;
	(tag) =	ssettag s2;
	_ =	strace s9  }
0x27: {  	s1 =	sld [smem:$0x3FAF]  }
0x28: {  	s2 =	sld [smem:$0x3FB0]  }
0x29: {  	s4 =	sld [smem:$0x3FB2]  }
0x2a: {  	p0 =	seq.s32 s5, $0x0;
	s5 =	sld [smem:$0x3FB3]  }
0x2b: {  	s6 =	sld [smem:$0x3FB4]  }
0x2c: {  	s7 =	sld [smem:$0x3FB5]  }
0x2d: {  	s3 =	simm.s32 $0x108;
	s8 =	sld [smem:$0x3FB6]  }
0x2e: {  	s3 =	simm.s32 @!p0 $0x1082;
	s9 =	sld [smem:$0x3FB7]  }
0x2f: {  	lr =	sadd.s32 s0, s3;
	s0 =	sld [smem:$0x3FAE]  }
0x30: {  	s3 =	sld [smem:$0x3FB1]  }
0x31: {  	[smem:$0x3FBA] =	sst s10  }
0x32: {  	s10 =	sld [smem:$0x3FB8];
	_ =	sdelay $0x3  }
0x33: {  	p0 =	seq.s32 s10, $0x1;
	s10 =	sld [smem:$0x3FBA];
	_ =	sdelay $0x3  }
0x34: {  	[smem:$0x3FBA] =	sst s10  }
0x35: {  	s10 =	sld [smem:$0x3FB9];
	_ =	sdelay $0x3  }
0x36: {  	p1 =	seq.s32 s10, $0x1;
	s10 =	sld [smem:$0x3FBA];
	_ =	sdelay $0x3  }
0x37: {  	[smem:$0x3FBA] =	sst s10  }
0x38: {  	s10 =	sld [smem:$0x3FBB]  }
0x39: {  	_ = 	snop;
	(pc) =	sbr.ind lr, $3  }
0x3a: {  	_ = 	snop  }
0x3b: {  	_ = 	snop  }
0x3c: {  	p2 =	seq.s32 s10, $0x1;
	s10 =	sld [smem:$0x3FBA]  }
0x3d: {  	_ =	shalt  }
0x3e: {  	_ =	shalt  }
0x3f: {  	_ =	shalt  }
0x40: {  	_ =	shalt  }
0x41: {  	_ =	shalt  }
0x42: {  	_ =	shalt  }
0x43: {  	_ =	shalt  }
0x44: {  	_ =	shalt  }
0x45: {  	_ =	shalt  }
0x46: {  	_ =	shalt  }
0x47: {  	_ =	shalt  }
0x48: {  	_ =	shalt  }
0x49: {  	_ =	shalt  }
0x4a: {  	_ =	shalt  }
0x4b: {  	_ =	shalt  }
0x4c: {  	_ =	shalt  }
0x4d: {  	_ =	shalt  }
0x4e: {  	_ =	shalt  }
0x4f: {  	_ =	shalt  }
0x50: {  	_ =	shalt  }
0x51: {  	_ =	shalt  }
0x52: {  	_ =	shalt  }
0x53: {  	_ =	shalt  }
0x54: {  	_ =	shalt  }
0x55: {  	_ =	shalt  }
0x56: {  	_ =	shalt  }
0x57: {  	_ =	shalt  }
0x58: {  	_ =	shalt  }
0x59: {  	_ =	shalt  }
0x5a: {  	_ =	shalt  }
0x5b: {  	_ =	shalt  }
0x5c: {  	_ =	shalt  }
0x5d: {  	_ =	shalt  }
0x5e: {  	_ =	shalt  }
0x5f: {  	_ =	shalt  }
0x60: {  	_ =	shalt  }
0x61: {  	_ =	shalt  }
0x62: {  	_ =	shalt  }
0x63: {  	_ =	shalt  }
0x64: {  	_ =	shalt  }
0x65: {  	_ =	shalt  }
0x66: {  	_ =	shalt  }
0x67: {  	_ =	shalt  }
0x68: {  	_ =	shalt  }
0x69: {  	_ =	shalt  }
0x6a: {  	_ =	shalt  }
0x6b: {  	_ =	shalt  }
0x6c: {  	_ =	shalt  }
0x6d: {  	_ =	shalt  }
0x6e: {  	_ =	shalt  }
0x6f: {  	_ =	shalt  }
0x70: {  	_ =	shalt  }
0x71: {  	_ =	shalt  }
0x72: {  	_ =	shalt  }
0x73: {  	_ =	shalt  }
0x74: {  	_ =	shalt  }
0x75: {  	_ =	shalt  }
0x76: {  	_ =	shalt  }
0x77: {  	_ =	shalt  }
0x78: {  	_ =	shalt  }
0x79: {  	_ =	shalt  }
0x7a: {  	_ =	shalt  }
0x7b: {  	_ =	shalt  }
0x7c: {  	_ =	shalt  }
0x7d: {  	_ =	shalt  }
0x7e: {  	_ =	shalt  }
0x7f: {  	_ =	shalt  }
0x80: {  	_ =	shalt  }
0x81: {  	_ =	shalt  }
0x82: {  	_ =	shalt  }
0x83: {  	_ =	shalt  }
0x84: {  	_ =	shalt  }
0x85: {  	_ =	shalt  }
0x86: {  	_ =	shalt  }
0x87: {  	_ =	shalt  }
.Lfunc_end0:
.L_simem_size_0:
called_computation_lowered:
.L_overlay_start_0:
0x88: {  	s2 =	sld [smem:$0x3FD9]  }
0x89: {  	s3 =	sld [smem:$0x3FFE];
	_ =	sdelay $0x1  }
0x8a: {  	s1 =	srdreg.scid  }
0x8b: {  	s0 =	sand.u32 $0x1, s1  }
0x8c: {  	s14 =	sshll.u32 s0, $0xA;
	s2 =	sadd.s32 s3, s2  }
0x8d: {  	s2 =	sadd.s32 s2, s14  }
0x8e: {  	[smem:$0x3FC6] =	sst s2  }
0x8f: {  	_ = 	snop  }
0x90: {  	s2 =	sld [smem:$0x3FD0];
	_ =	sdelay $0x2  }
0x91: {  	s15 =	simm.s32 $0xA;
	s4 =	simm.s32 $0x10  }
0x92: {  	[smem:s4], [sflag:s15] =	dma.local [hbm:s2], $0x1  }
0x93: {  	_ =	swait.eq [sflag:s15], $0x1  }
0x94: {  	[sflag:s15] =	ssyncset.done $0x0  }
0x95: {  	[sflag:s15] =	ssyncadd.s32 $0xFFFFFFFF  }
0x96: {  	s16 =	sld [smem:$0x10];
	(tm) =	ssettm $0x1  }
0x97: {  	s17 =	sld [smem:$0x3FFB];
	_ =	sdelay $0x3  }
0x98: {  	_ =	strace s17  }
0x99: {  	s3 =	sld [smem:$0x3FFC];
	_ =	sdelay $0x3  }
0x9a: {  	_ =	strace s3  }
0x9b: {  	s3 =	sld [smem:$0x3FFD];
	_ =	sdelay $0x3  }
0x9c: {  	_ =	strace s3  }
0x9d: {  	_ =	strace $0x8FFFFFFF  }
0x9e: {  	s18 =	sld [smem:$0x3FDB];
	_ =	sdelay $0x1  }
0x9f: {  	s19 =	simm.s32 $_scs_section_size  }
0xa0: {  	s5 =	simm.s32 $_size__tile_overlayer_lowered;
	s6 =	simm.s32 $_tile_overlayer_lowered  }
0xa1: {  	s22 =	simm.s32 $0x1BFF;
	s21 =	sshll.u32 s6, $0x1;
	s3 =	sadd.s32 s19, s18  }
0xa2: {  	s7 =	simm.s32 $0x0;
	s20 =	sshll.u32 s5, $0x1;
	s5 =	sadd.s32 s21, s3  }
0xa3: {  	[timem:s7], [sflag:s22] =	dma.local [hbm:s5], s20  }
0xa4: {  	_ =	swait.ge [sflag:s22], s20  }
0xa5: {  	s4 =	ssub.s32 $0x0, s20;
	[sflag:s22] =	ssyncset.done $0x0  }
0xa6: {  	[sflag:s22] =	ssyncadd.s32 s4;
	_ =	sdelay $0x1  }
0xa7: {  	s23 =	simm.s32 $0x1B8B  }
0xa8: {  	_ =	swait.ge [sflag:s23], $0x1  }
0xa9: {  	[sflag:s23] =	ssyncset.done $0x0  }
0xaa: {  	s25 =	simm.s32 $0x1B8E;
	s24 =	sld [smem:$0x3FFE];
	[sflag:s23] =	ssyncadd.s32 $0xFFFFFFFF  }
0xab: {  	s26 =	simm.s32 $execute0_lowered;
	[smem:$0x3FD2] =	sst s25  }
0xac: {  	s5 =	sshll.u32 s26, $0x1;
	_ =	strace $0x80000046;
	[dreg:$0x1] =	wrdreg $0xFFFFFFFF  }
0xad: {  	s28 =	simm.s32 $_size_execute0_lowered;
	s3 =	sadd.s32 s3, s5;
	[dreg:$0x0] =	wrdreg $0x0  }
0xae: {  	s5 =	sshll.u32 s28, $0x1;
	[dreg:$0x2] =	wrdreg s3  }
0xaf: {  	[dreg:$0x3] =	wrdreg s5  }
0xb0: {  	[dreg:$0x4] =	wrdreg $0xC0  }
0xb1: {  	_ =	task [dreg:s7], $0x5FFFF  }
0xb2: {  	[dreg:$0x1] =	wrdreg $0xFFFFFFFF  }
0xb3: {  	[dreg:$0x0] =	wrdreg $0x60  }
0xb4: {  	[dreg:$0x2] =	wrdreg s24  }
0xb5: {  	[dreg:$0x3] =	wrdreg s16  }
0xb6: {  	[dreg:$0x4] =	wrdreg $0x9  }
0xb7: {  	_ =	task.clear_ibuf [dreg:s7], $0x5FFFF;
	_ =	strace $0x90000046  }
0xb8: {  	s29 =	simm.s32 $0x9;
	_ =	strace $0x80000048  }
0xb9: {  	_ =	swait.ge [sflag:s29], $0x1  }
0xba: {  	[sflag:s29] =	ssyncadd.s32 $0xFFFFFFFF  }
0xbb: {  	_ =	strace $0x90000048  }
0xbc: {  	_ =	sfence  }
0xbd: {  	s30 =	sld [smem:$0x0];
	_ =	sdelay $0x2  }
0xbe: {  	s31 =	sshll.u32 s1, $0xD;
	s1 =	sshrl.u32 s1, $0x2  }
0xbf: {  	s3 =	sand.u32 $0x4000, s31;
	s1 =	sadd.s32 s1, s30  }
0xc0: {  	s0 =	sor.u32 s3, s0;
	s1 =	sshll.u32 s1, $0x11  }
0xc1: {  	s0 =	sor.u32 s1, s0  }
0xc2: {  	s0 =	sadd.s32 $0x8F2B, s0  }
0xc3: {  	[sflag:s0] =	ssyncadd.remote.s32 $0x1  }
0xc4: {  	_ =	sfence.sel $0xFFFF  }
0xc5: {  	[dreg:$0x0] =	wrdreg $0xFFFFFFFF;
	(pc) =	sbr.abs _section_cstart, $3  }
0xc6: {  	[dreg:$0x1] =	wrdreg $0xFFFFFFFF  }
0xc7: {  	_ =	task.clear_ibuf [dreg:s7], $0x2FFFF;
	_ =	strace $0x9FFFFFFF  }
0xc8: {  	(tm) =	ssettm $0x7FFFFFFF  }
0xc9: {  	_ =	shalt  }
tec
execute0_lowered:
.L_overlay_start_1:
0x0: {  	(tag) =	ssettag $0x1  }
0x1: {  	s1 =	srdreg.scid  }
0x2: {  	s5 =	rddreg [dreg:$0x0];
	s0 =	stileid.u32;
	s15 =	sand.u32 $0x1, s1  }
0x3: {  	s14 =	rddreg [dreg:$0x1];
	s3 =	sshll.u32 s0, $0xD;
	s4 =	sshll.u32 s15, $0xC  }
0x4: {  	s2 =	simm.s32 $0x0;
	s1 =	rddreg [dreg:$0x2];
	s13 =	sor.u32 s4, s3  }
0x5: {  	[smem:$0x7FF] =	sst s2;
	s16 =	sadd.s32 $0xA00, s5;
	s3 =	sshrl.u32 s13, $0x3  }
0x6: {  	_ =	strace $0x80000047;
	s4 =	sadd.s32 s16, s3;
	s3 =	simm.s32 $0x2  }
0x7: {  	[tilespmem:s2], [sflag:$0x2] =	stream.linear.gather [hbm4b:s4+s2], $0x400, $0x38;
	[tilespmem:$0x8400] =	vst v63  }
0x8: {  	_ =	swait.ge [sflag:s3], $0x400  }
0x9: {  	s6 =	simm.s32 $0x400;
	[sflag:s3] =	ssyncset.done $0x0  }
0xa: {  	s7 =	simm.s32 $0x1;
	s5 =	sadd.s32 $0x4A00, s5;
	[sflag:s3] =	ssyncadd.s32 $0xFFFFFC00  }
0xb: {  	[tilespmem:s6], [sflag:$0x1] =	stream.indirect.gather [hbm4b:s5+s6], $0x20, s2, s6, $0xb8;
	[tilespmem:$0x8400] =	vst v63  }
0xc: {  	_ =	swait.ge [sflag:s7], $0x8000  }
0xd: {  	s8 =	sshll.u32 s13, $0x2;
	[sflag:s7] =	ssyncset.done $0x0  }
0xe: {  	s8 =	sadd.s32 s14, s8;
	[sflag:s7] =	ssyncadd.s32 $0xFFFF8000  }
0xf: {  	[hbm4b:s8+s2] =	stream.linear.scatter [tilespmem:s6], [sflag:$0x2], $0x8000, $0x38;
	[tilespmem:$0x8400] =	vst v63  }
0x10: {  	s10 =	sor.u32 $0x400, s13;
	_ =	swait.ge [sflag:s3], $0x8000  }
0x11: {  	s9 =	sshrl.u32 s10, $0x3;
	[sflag:s3] =	ssyncset.done $0x0  }
0x12: {  	s9 =	sadd.s32 s16, s9;
	[sflag:s3] =	ssyncadd.s32 $0xFFFF8000  }
0x13: {  	[tilespmem:s2], [sflag:$0x2] =	stream.linear.gather [hbm4b:s9+s2], $0x400, $0x38;
	[tilespmem:$0x8400] =	vst v63  }
0x14: {  	_ =	swait.ge [sflag:s3], $0x400  }
0x15: {  	[sflag:s3] =	ssyncset.done $0x0  }
0x16: {  	[sflag:s3] =	ssyncadd.s32 $0xFFFFFC00  }
0x17: {  	[tilespmem:s6], [sflag:$0x1] =	stream.indirect.gather [hbm4b:s5+s6], $0x20, s2, s6, $0xb8;
	[tilespmem:$0x8400] =	vst v63  }
0x18: {  	_ =	swait.ge [sflag:s7], $0x8000  }
0x19: {  	s10 =	sshll.u32 s10, $0x2;
	[sflag:s7] =	ssyncset.done $0x0  }
0x1a: {  	s10 =	sadd.s32 s14, s10;
	[sflag:s7] =	ssyncadd.s32 $0xFFFF8000  }
0x1b: {  	[hbm4b:s10+s2] =	stream.linear.scatter [tilespmem:s6], [sflag:$0x2], $0x8000, $0x38;
	[tilespmem:$0x8400] =	vst v63  }
0x1c: {  	s12 =	sor.u32 $0x800, s13;
	_ =	swait.ge [sflag:s3], $0x8000  }
0x1d: {  	s11 =	sshrl.u32 s12, $0x3;
	[sflag:s3] =	ssyncset.done $0x0  }
0x1e: {  	s11 =	sadd.s32 s16, s11;
	[sflag:s3] =	ssyncadd.s32 $0xFFFF8000  }
0x1f: {  	[tilespmem:s2], [sflag:$0x2] =	stream.linear.gather [hbm4b:s11+s2], $0x400, $0x38;
	[tilespmem:$0x8400] =	vst v63  }
0x20: {  	_ =	swait.ge [sflag:s3], $0x400  }
0x21: {  	[sflag:s3] =	ssyncset.done $0x0  }
0x22: {  	[sflag:s3] =	ssyncadd.s32 $0xFFFFFC00  }
0x23: {  	[tilespmem:s6], [sflag:$0x1] =	stream.indirect.gather [hbm4b:s5+s6], $0x20, s2, s6, $0xb8;
	[tilespmem:$0x8400] =	vst v63  }
0x24: {  	_ =	swait.ge [sflag:s7], $0x8000  }
0x25: {  	s12 =	sshll.u32 s12, $0x2;
	[sflag:s7] =	ssyncset.done $0x0  }
0x26: {  	s12 =	sadd.s32 s14, s12;
	[sflag:s7] =	ssyncadd.s32 $0xFFFF8000  }
0x27: {  	[hbm4b:s12+s2] =	stream.linear.scatter [tilespmem:s6], [sflag:$0x2], $0x8000, $0x38;
	[tilespmem:$0x8400] =	vst v63  }
0x28: {  	s17 =	sor.u32 $0xC00, s13;
	_ =	swait.ge [sflag:s3], $0x8000  }
0x29: {  	s13 =	sshrl.u32 s17, $0x3;
	[sflag:s3] =	ssyncset.done $0x0  }
0x2a: {  	s15 =	ssub.s32 $0x2, s15;
	s13 =	sadd.s32 s16, s13;
	[sflag:s3] =	ssyncadd.s32 $0xFFFF8000  }
0x2b: {  	[tilespmem:s2], [sflag:$0x2] =	stream.linear.gather [hbm4b:s13+s2], $0x400, $0x38;
	[tilespmem:$0x8400] =	vst v63  }
0x2c: {  	s30 =	sshrl.u32 s15, $0x1;
	_ =	swait.ge [sflag:s3], $0x400  }
0x2d: {  	s15 =	ssub.s32 s15, s30;
	[sflag:s3] =	ssyncset.done $0x0  }
0x2e: {  	s15 =	smax.u32 s15, $0x1;
	[sflag:s3] =	ssyncadd.s32 $0xFFFFFC00  }
0x2f: {  	[tilespmem:s6], [sflag:$0x1] =	stream.indirect.gather [hbm4b:s5+s6], $0x20, s2, s6, $0xb8;
	[tilespmem:$0x8400] =	vst v63  }
0x30: {  	p0 =	sne.s32 s15, $0x1;
	_ =	swait.ge [sflag:s7], $0x8000  }
.Ltmp0:
0x31: {  	s31 =	sshll.u32 s17, $0x2;
	[sflag:s7] =	ssyncset.done $0x0;
	(pc) =	sbr.rel @!p0 .LBB2_2-.Ltmp0, $4  }
0x32: {  	s14 =	sadd.s32 s14, s31;
	[sflag:s7] =	ssyncadd.s32 $0xFFFF8000  }
0x33: {  	[hbm4b:s14+s2] =	stream.linear.scatter [tilespmem:s6], [sflag:$0x2], $0x8000, $0x38;
	[tilespmem:$0x8400] =	vst v63  }
0x34: {  	_ =	swait.ge [sflag:s3], $0x8000  }
0x35: {  	s15 =	sadd.s32 $0xFFFFFFFF, s15;
	[sflag:s3] =	ssyncset.done $0x0  }
.LBB2_1:
0x36: {  	p0 =	sne.s32 s15, $0x1;
	s15 =	sadd.s32 $0xFFFFFFFF, s15;
	[sflag:s3] =	ssyncadd.s32 $0xFFFF8000  }
0x37: {  	[tilespmem:s2], [sflag:$0x2] =	stream.linear.gather [hbm4b:s4+s2], $0x400, $0x38;
	[tilespmem:$0x8400] =	vst v63  }
0x38: {  	_ =	swait.ge [sflag:s3], $0x400  }
0x39: {  	[sflag:s3] =	ssyncset.done $0x0  }
0x3a: {  	[sflag:s3] =	ssyncadd.s32 $0xFFFFFC00  }
0x3b: {  	[tilespmem:s6], [sflag:$0x1] =	stream.indirect.gather [hbm4b:s5+s6], $0x20, s2, s6, $0xb8;
	[tilespmem:$0x8400] =	vst v63  }
0x3c: {  	_ =	swait.ge [sflag:s7], $0x8000  }
0x3d: {  	[sflag:s7] =	ssyncset.done $0x0  }
0x3e: {  	[sflag:s7] =	ssyncadd.s32 $0xFFFF8000  }
0x3f: {  	[hbm4b:s8+s2] =	stream.linear.scatter [tilespmem:s6], [sflag:$0x2], $0x8000, $0x38;
	[tilespmem:$0x8400] =	vst v63  }
0x40: {  	_ =	swait.ge [sflag:s3], $0x8000  }
0x41: {  	[sflag:s3] =	ssyncset.done $0x0  }
0x42: {  	[sflag:s3] =	ssyncadd.s32 $0xFFFF8000  }
0x43: {  	[tilespmem:s2], [sflag:$0x2] =	stream.linear.gather [hbm4b:s9+s2], $0x400, $0x38;
	[tilespmem:$0x8400] =	vst v63  }
0x44: {  	_ =	swait.ge [sflag:s3], $0x400  }
0x45: {  	[sflag:s3] =	ssyncset.done $0x0  }
0x46: {  	[sflag:s3] =	ssyncadd.s32 $0xFFFFFC00  }
0x47: {  	[tilespmem:s6], [sflag:$0x1] =	stream.indirect.gather [hbm4b:s5+s6], $0x20, s2, s6, $0xb8;
	[tilespmem:$0x8400] =	vst v63  }
0x48: {  	_ =	swait.ge [sflag:s7], $0x8000  }
0x49: {  	[sflag:s7] =	ssyncset.done $0x0  }
0x4a: {  	[sflag:s7] =	ssyncadd.s32 $0xFFFF8000  }
0x4b: {  	[hbm4b:s10+s2] =	stream.linear.scatter [tilespmem:s6], [sflag:$0x2], $0x8000, $0x38;
	[tilespmem:$0x8400] =	vst v63  }
0x4c: {  	_ =	swait.ge [sflag:s3], $0x8000  }
0x4d: {  	[sflag:s3] =	ssyncset.done $0x0  }
0x4e: {  	[sflag:s3] =	ssyncadd.s32 $0xFFFF8000  }
0x4f: {  	[tilespmem:s2], [sflag:$0x2] =	stream.linear.gather [hbm4b:s11+s2], $0x400, $0x38;
	[tilespmem:$0x8400] =	vst v63  }
0x50: {  	_ =	swait.ge [sflag:s3], $0x400  }
0x51: {  	[sflag:s3] =	ssyncset.done $0x0  }
0x52: {  	[sflag:s3] =	ssyncadd.s32 $0xFFFFFC00  }
0x53: {  	[tilespmem:s6], [sflag:$0x1] =	stream.indirect.gather [hbm4b:s5+s6], $0x20, s2, s6, $0xb8;
	[tilespmem:$0x8400] =	vst v63  }
0x54: {  	_ =	swait.ge [sflag:s7], $0x8000  }
0x55: {  	[sflag:s7] =	ssyncset.done $0x0  }
0x56: {  	[sflag:s7] =	ssyncadd.s32 $0xFFFF8000  }
0x57: {  	[hbm4b:s12+s2] =	stream.linear.scatter [tilespmem:s6], [sflag:$0x2], $0x8000, $0x38;
	[tilespmem:$0x8400] =	vst v63  }
0x58: {  	_ =	swait.ge [sflag:s3], $0x8000  }
0x59: {  	[sflag:s3] =	ssyncset.done $0x0  }
0x5a: {  	[sflag:s3] =	ssyncadd.s32 $0xFFFF8000  }
0x5b: {  	[tilespmem:s2], [sflag:$0x2] =	stream.linear.gather [hbm4b:s13+s2], $0x400, $0x38;
	[tilespmem:$0x8400] =	vst v63  }
0x5c: {  	_ =	swait.ge [sflag:s3], $0x400  }
0x5d: {  	[sflag:s3] =	ssyncset.done $0x0  }
0x5e: {  	[sflag:s3] =	ssyncadd.s32 $0xFFFFFC00  }
0x5f: {  	[tilespmem:s6], [sflag:$0x1] =	stream.indirect.gather [hbm4b:s5+s6], $0x20, s2, s6, $0xb8;
	[tilespmem:$0x8400] =	vst v63  }
0x60: {  	_ =	swait.ge [sflag:s7], $0x8000  }
.Ltmp1:
0x61: {  	[sflag:s7] =	ssyncset.done $0x0;
	(pc) =	sbr.rel @p0 .LBB2_1-.Ltmp1, $4  }
0x62: {  	[sflag:s7] =	ssyncadd.s32 $0xFFFF8000  }
0x63: {  	[hbm4b:s14+s2] =	stream.linear.scatter [tilespmem:s6], [sflag:$0x2], $0x8000, $0x38;
	[tilespmem:$0x8400] =	vst v63  }
0x64: {  	_ =	swait.ge [sflag:s3], $0x8000  }
0x65: {  	[sflag:s3] =	ssyncset.done $0x0  }
.LBB2_2:
0x66: {  	[sflag:s3] =	ssyncadd.s32 $0xFFFF8000  }
0x67: {  	_ =	sfence.sel $0x180000  }
0x68: {  	[bflag:$0x0] =	sbarrier.arrive $0xFFFF  }
0x69: {  	p0 =	sne.s32 s0, $0x0;
	_ =	strace $0x90000047  }
0x6a: {  	s0 =	sadd.s32 @!p0 $0x100000, s1;
	[bflag:$0x2] =	sbarrier.arrive $0xFFFF  }
0x6b: {  	[sflag:s0] =	ssyncadd.tile.s32 @!p0 $0x1;
	_ =	shalt  }
.Lfunc_end2:
_tile_overlayer_lowered:
.L_overlay_start_2:
0x6c: {  	(tag) =	ssettag $0x2  }
0x6d: {  	s0 =	rddreg [dreg:$0x0];
	s2 =	stileid.u32  }
0x6e: {  	s1 =	rddreg [dreg:$0x1];
	p0 =	sne.s32 s2, $0x0  }
0x6f: {  	s3 =	rddreg [dreg:$0x2];
	[bflag:$0x3] =	sbarrier.arrive $0xFFFF;
	s2 =	simm.s32 @!p0 $0x1C02  }
0x70: {  	[timem:s3], [sflag:s2] =	dma.local @!p0 [hbm:s0], s1  }
0x71: {  	s0 =	simm.s32 @!p0 $0x2  }
0x72: {  	_ =	swait.ge @!p0 [sflag:s0], s1  }
0x73: {  	s1 =	ssub.s32 @!p0 $0x0, s1;
	[sflag:s0] =	ssyncset.done @!p0 $0x0  }
0x74: {  	[sflag:s0] =	ssyncadd.s32 @!p0 s1  }
0x75: {  	[bflag:$0x3] =	sbarrier.arrive $0xFFFF  }
0x76: {  	_ =	shalt  }

</sc_bundles>
